<compile_context>
chip_gen: v7x
topology: tpu7x:2x2x1
jax: 0.10.2.dev20260603
libtpu: 0.0.44.dev20260713+nightly
codegen_flags: <defaults>
</compile_context>

<pallas_src>
import functools

import jax
import jax.numpy as jnp
from jax import lax
from jax.experimental import pallas as pl
from jax.experimental.pallas import tpu as pltpu
from jax.experimental.pallas import tpu_sc as plsc

N = 4096
D = 128
TM = 1024
TN = 1024
NW = 32
RPW = N // NW
NCH = RPW // 16

CONTRASTIVE_MARGIN = 0.5
TRIPLET_MARGIN = 0.2
ALPHA = 0.5
EPS = 1e-6


def _compact_kernel(e1_hbm, e2_hbm, tgt_hbm,
                    e1p_hbm, e2p_hbm, e2n_hbm, counts_hbm,
                    t_v, d1_v, d0_v, r1_v, r2_v, cnt_v,
                    sem1, sem2, sem3, sem4):
    wid = lax.axis_index("s") * 2 + lax.axis_index("c")
    base = wid * RPW

    pltpu.sync_copy(tgt_hbm, t_v)
    pltpu.sync_copy(e1_hbm.at[pl.ds(base, RPW)], r1_v)
    pltpu.sync_copy(e2_hbm.at[pl.ds(base, RPW)], r2_v)

    def _scan(c, carry):
        tot, pref = carry
        s = jnp.sum(t_v[pl.ds(c * 16, 16)])
        return tot + s, pref + jnp.where(c < base // 16, s, 0)

    tot_pos, pref_pos = lax.fori_loop(0, N // 16, _scan, (0, 0))
    tot_neg = N - tot_pos

    idx16 = lax.iota(jnp.int32, 16)

    def _slots(c, ppref):
        t = t_v[pl.ds(base + c * 16, 16)]
        pc_inc = plsc.cumsum(t)
        pcum = ppref + pc_inc - t
        row = base + c * 16 + idx16
        ncum = row - pcum
        d1 = jnp.where(t == 1, pcum, tot_pos + ncum)
        d0 = jnp.where(t == 0, ncum, tot_neg + pcum)
        d1_v[pl.ds(c * 16, 16)] = d1
        d0_v[pl.ds(c * 16, 16)] = d0
        return ppref + jnp.sum(t)

    lax.fori_loop(0, NCH, _slots, pref_pos)

    c1 = pltpu.async_copy(r1_v, e1p_hbm.at[d1_v], sem1)
    c2 = pltpu.async_copy(r2_v, e2p_hbm.at[d1_v], sem2)
    c3 = pltpu.async_copy(r2_v, e2n_hbm.at[d0_v], sem3)

    @pl.when(wid == 0)
    def _counts():
        cnt_v[...] = jnp.where(idx16 == 0, tot_pos,
                               jnp.where(idx16 == 1, tot_neg, 0))
        pltpu.async_copy(cnt_v, counts_hbm, sem4).wait()

    c1.wait()
    c2.wait()
    c3.wait()


def _compact(emb1, emb2, target):
    mesh = plsc.VectorSubcoreMesh(core_axis_name="c", subcore_axis_name="s")
    f32, i32 = jnp.float32, jnp.int32
    fn = functools.partial(
        pl.kernel, mesh=mesh,
        compiler_params=pltpu.CompilerParams(needs_layout_passes=False),
        out_type=(
            jax.ShapeDtypeStruct((N, D), f32),
            jax.ShapeDtypeStruct((N, D), f32),
            jax.ShapeDtypeStruct((N, D), f32),
            jax.ShapeDtypeStruct((16,), i32),
        ),
        scratch_types=[
            pltpu.VMEM((N,), i32),
            pltpu.VMEM((RPW,), i32),
            pltpu.VMEM((RPW,), i32),
            pltpu.VMEM((RPW, D), f32),
            pltpu.VMEM((RPW, D), f32),
            pltpu.VMEM((16,), i32),
            pltpu.SemaphoreType.DMA,
            pltpu.SemaphoreType.DMA,
            pltpu.SemaphoreType.DMA,
            pltpu.SemaphoreType.DMA,
        ],
    )(_compact_kernel)
    return fn(emb1, emb2, target)


def _hybrid_loss_kernel(counts_ref, a_ref, bp_ref, bnfull_ref, out_ref,
                        bbf_ref, bias_ref, acc_ref):
    i = pl.program_id(0)
    nsteps = pl.num_programs(0)
    npos = counts_ref[0]
    nneg = counts_ref[1]

    @pl.when(i == 0)
    def _init():
        acc_ref[0] = 0.0
        acc_ref[1] = 0.0
        bbf_ref[...] = bnfull_ref[...].astype(jnp.bfloat16)
        colid = lax.broadcasted_iota(jnp.int32, (1, N), 1)
        bias_ref[...] = jnp.where(colid >= nneg, 4.0, 0.0)

    a = a_ref[...]
    b = bp_ref[...]
    rowid = lax.broadcasted_iota(jnp.int32, (1, TM), 1) + i * TM
    tf = (rowid < npos).astype(jnp.float32)

    diff = a - b + EPS
    sq = diff * diff
    ones_row = jnp.ones((1, D), jnp.float32)
    psq = jax.lax.dot_general(ones_row, sq, (((1,), (1,)), ((), ())),
                              preferred_element_type=jnp.float32,
                              precision=jax.lax.Precision.HIGHEST)
    pos_dist = jnp.sqrt(psq)

    margin_gap = jnp.maximum(CONTRASTIVE_MARGIN - pos_dist, 0.0)
    loss_sim = tf * psq
    loss_dis = (1.0 - tf) * margin_gap * margin_gap
    hard = (tf == 0.0) & (pos_dist < CONTRASTIVE_MARGIN)
    w = jnp.where(hard, 2.0, 1.0)
    acc_ref[0] += jnp.sum(0.5 * (loss_sim + loss_dis) * w)

    @pl.when(i * TM < npos)
    def _mine():
        abf = a.astype(jnp.bfloat16)
        njc = (nneg + TN - 1) // TN

        def _chunk(j, rmax):
            bt = bbf_ref[pl.ds(j * TN, TN), :]
            dot = jax.lax.dot_general(abf, bt, (((1,), (1,)), ((), ())),
                                      preferred_element_type=jnp.float32)
            biasc = bias_ref[:, pl.ds(j * TN, TN)]
            return jnp.maximum(
                rmax, jnp.max(dot - biasc, axis=1, keepdims=True))

        rmax0 = jnp.full((TM, 1), -4.0, jnp.float32)
        rmax = lax.fori_loop(0, njc, _chunk, rmax0)

        max_dot = rmax.reshape(1, TM)
        min_d2 = 2.0 - 2.0 * max_dot
        neg_dist = jnp.sqrt(jnp.maximum(min_d2, 1e-12))
        tl = jnp.maximum(pos_dist - neg_dist + TRIPLET_MARGIN, 0.0) * tf
        acc_ref[1] += jnp.sum(tl)

    @pl.when(i == nsteps - 1)
    def _finish():
        npf = npos.astype(jnp.float32)
        contr = acc_ref[0] / N
        has_both = (npos > 0) & (nneg > 0)
        trip = jnp.where(has_both, acc_ref[1] / jnp.maximum(npf, 1.0), 0.0)
        out_ref[0] = ALPHA * contr + (1.0 - ALPHA) * trip


def kernel(emb1, emb2, target):
    e1p, e2p, e2n, counts = _compact(emb1, emb2, target)

    out = pl.pallas_call(
        _hybrid_loss_kernel,
        grid=(N // TM,),
        in_specs=[
            pl.BlockSpec(memory_space=pltpu.SMEM),
            pl.BlockSpec((TM, D), lambda i: (i, 0)),
            pl.BlockSpec((TM, D), lambda i: (i, 0)),
            pl.BlockSpec((N, D), lambda i: (0, 0)),
        ],
        out_specs=pl.BlockSpec(memory_space=pltpu.SMEM),
        out_shape=jax.ShapeDtypeStruct((1,), jnp.float32),
        scratch_shapes=[
            pltpu.VMEM((N, D), jnp.bfloat16),
            pltpu.VMEM((1, N), jnp.float32),
            pltpu.SMEM((2,), jnp.float32),
        ],
    )(counts, e1p, e2p, e2n)
    return out[0]

# --- scband reference (transcript-rebuilt; emitter-appended) ---
"""Pipeline reference for scband-hybrid-loss-1958505087128 (READ-ONLY COPY).

The authoritative reference and input builder live on the scoring server;
editing this copy changes nothing except your own understanding.
"""

import jax, jax.numpy as jnp
import numpy as np

CONTRASTIVE_MARGIN = 0.5
TRIPLET_MARGIN = 0.2
ALPHA = 0.5
EPS = 1e-6


def setup_inputs(seed: int = 0) -> dict:
    key = jax.random.key(seed)
    k1, k2, k3 = jax.random.split(key, 3)
    emb1 = jax.random.normal(k1, (4096, 128), dtype=jnp.float32)
    emb2 = jax.random.normal(k2, (4096, 128), dtype=jnp.float32)
    # embeddings are documented as L2-normalized
    emb1 = emb1 / jnp.linalg.norm(emb1, axis=1, keepdims=True)
    emb2 = emb2 / jnp.linalg.norm(emb2, axis=1, keepdims=True)
    target = jax.random.randint(k3, (4096,), 0, 2).astype(jnp.int64)
    return {"emb1": emb1, "emb2": emb2, "target": target}


def _pairwise_distance(a, b):
    # mirrors torch.pairwise_distance(p=2, eps=1e-6): ||a - b + eps||_2
    return jnp.linalg.norm(a - b + EPS, axis=1)


def _contrastive_hard(emb1, emb2, target):
    tf = target.astype(jnp.float32)
    distance = _pairwise_distance(emb1, emb2)
    loss_similar = tf * distance ** 2
    loss_dissimilar = (1.0 - tf) * jnp.maximum(CONTRASTIVE_MARGIN - distance, 0.0) ** 2
    hard_negative_mask = (target == 0) & (distance < CONTRASTIVE_MARGIN)
    weights = jnp.where(hard_negative_mask, 2.0, 1.0)
    loss = 0.5 * (loss_similar + loss_dissimilar) * weights
    return loss.mean()


def _triplet_from_pairs(emb1, emb2, pos_mask, neg_mask):
    # ||a - n||^2 = ||a||^2 + ||n||^2 - 2 a.n  (math-equivalent to broadcasted norm)
    a_sq = jnp.sum(emb1 ** 2, axis=1, keepdims=True)
    n_sq = jnp.sum(emb2 ** 2, axis=1)[None, :]
    d2 = a_sq + n_sq - 2.0 * emb1 @ emb2.T
    distances = jnp.sqrt(jnp.maximum(d2, 1e-12))
    distances = jnp.where(neg_mask[None, :], distances, jnp.inf)
    hardest_neg_idx = jnp.argmin(distances, axis=1)
    negatives = jnp.take(emb2, hardest_neg_idx, axis=0)
    pos_dist = _pairwise_distance(emb1, emb2)
    neg_dist = _pairwise_distance(emb1, negatives)
    loss = jnp.maximum(pos_dist - neg_dist + TRIPLET_MARGIN, 0.0)
    pf = pos_mask.astype(jnp.float32)
    num_pos = jnp.sum(pf)
    return jnp.sum(loss * pf) / jnp.maximum(num_pos, 1.0)


def reference(emb1, emb2, target):
    pos_mask = target == 1
    neg_mask = target == 0
    contrastive_loss = _contrastive_hard(emb1, emb2, target)
    has_both = jnp.any(pos_mask) & jnp.any(neg_mask)
    triplet_loss = jnp.where(
        has_both,
        _triplet_from_pairs(emb1, emb2, pos_mask, neg_mask),
        jnp.asarray(0.0, dtype=jnp.float32),
    )
    return ALPHA * contrastive_loss + (1.0 - ALPHA) * triplet_loss

if __name__ == "__main__":
    import jax
    _d = setup_inputs()
    print(jax.jit(kernel)(*tuple(_d.values())))

</pallas_src>

<mosaic_0001>
#map = affine_map<(d0, d1) -> (0, 0)>
#map1 = affine_map<(d0, d1) -> (0)>
module attributes {stable_mosaic.version = 14 : i64} {
  func.func @_compact_kernel(%arg0: i32, %arg1: i32, %arg2: memref<4096x128xf32, #tpu.memory_space<hbm>>, %arg3: memref<4096x128xf32, #tpu.memory_space<hbm>>, %arg4: memref<4096xi32, #tpu.memory_space<hbm>>, %arg5: memref<4096x128xf32, #tpu.memory_space<hbm>>, %arg6: memref<4096x128xf32, #tpu.memory_space<hbm>>, %arg7: memref<4096x128xf32, #tpu.memory_space<hbm>>, %arg8: memref<16xi32, #tpu.memory_space<hbm>>, %arg9: memref<4096xi32, #tpu.memory_space<vmem>>, %arg10: memref<128xi32, #tpu.memory_space<vmem>>, %arg11: memref<128xi32, #tpu.memory_space<vmem>>, %arg12: memref<128x128xf32, #tpu.memory_space<vmem>>, %arg13: memref<128x128xf32, #tpu.memory_space<vmem>>, %arg14: memref<16xi32, #tpu.memory_space<vmem>>, %arg15: memref<!tpu.dma_semaphore, #tpu.memory_space<semaphore_mem>>, %arg16: memref<!tpu.dma_semaphore, #tpu.memory_space<semaphore_mem>>, %arg17: memref<!tpu.dma_semaphore, #tpu.memory_space<semaphore_mem>>, %arg18: memref<!tpu.dma_semaphore, #tpu.memory_space<semaphore_mem>>) attributes {dimension_semantics = [#tpu.dimension_semantics<core_parallel>, #tpu.dimension_semantics<subcore_parallel>], iteration_bounds = array<i64: 2, 16>, scalar_prefetch = 0 : i64, scratch_operands = 10 : i64, tpu.core_type = #tpu.core_type<sc_vector_subcore>, window_params = [{transform_indices = #map}, {transform_indices = #map}, {transform_indices = #map1}, {transform_indices = #map}, {transform_indices = #map}, {transform_indices = #map}, {transform_indices = #map1}]} {
    %mul3A = arith.constant 2 : i32
    %mul3A_0 = arith.muli %arg1, %mul3A : i32
    %add3A = arith.addi %mul3A_0, %arg0 : i32
    %mul3A_1 = arith.constant 128 : i32
    %mul3A_2 = arith.muli %add3A, %mul3A_1 : i32
    "tpu.region"() ({
      %run_scoped3A = tpu.sem_alloc : memref<!tpu.dma_semaphore, #tpu.memory_space<semaphore_mem>>
      tpu.enqueue_dma source(%arg4 : memref<4096xi32, #tpu.memory_space<hbm>>) target(%arg9 : memref<4096xi32, #tpu.memory_space<vmem>>) target_semaphore(%run_scoped3A : memref<!tpu.dma_semaphore, #tpu.memory_space<semaphore_mem>>)
      tpu.wait_dma2 semaphore(%run_scoped3A : memref<!tpu.dma_semaphore, #tpu.memory_space<semaphore_mem>>) src(%arg4 : memref<4096xi32, #tpu.memory_space<hbm>>) dst(%arg9 : memref<4096xi32, #tpu.memory_space<vmem>>)
      tpu.yield
    }) : () -> ()
    "tpu.region"() ({
      %run_scoped3A = tpu.sem_alloc : memref<!tpu.dma_semaphore, #tpu.memory_space<semaphore_mem>>
      %dma_start3A_35 = arith.constant 0 : i32
      %dma_start3A_36 = tpu.memref_slice %arg2[%mul3A_2, %dma_start3A_35] : memref<4096x128xf32, #tpu.memory_space<hbm>> -> memref<128x128xf32, #tpu.memory_space<hbm>>
      %dma_start3A_37 = arith.constant 0 : i32
      %dma_start3A_38 = tpu.memref_slice %arg2[%mul3A_2, %dma_start3A_37] : memref<4096x128xf32, #tpu.memory_space<hbm>> -> memref<128x128xf32, #tpu.memory_space<hbm>>
      tpu.enqueue_dma source(%dma_start3A_38 : memref<128x128xf32, #tpu.memory_space<hbm>>) target(%arg12 : memref<128x128xf32, #tpu.memory_space<vmem>>) target_semaphore(%run_scoped3A : memref<!tpu.dma_semaphore, #tpu.memory_space<semaphore_mem>>)
      %dma_wait3A_39 = arith.constant 0 : i32
      %dma_wait3A_40 = tpu.memref_slice %arg2[%mul3A_2, %dma_wait3A_39] : memref<4096x128xf32, #tpu.memory_space<hbm>> -> memref<128x128xf32, #tpu.memory_space<hbm>>
      %dma_wait3A_41 = arith.constant 0 : i32
      %dma_wait3A_42 = tpu.memref_slice %arg2[%mul3A_2, %dma_wait3A_41] : memref<4096x128xf32, #tpu.memory_space<hbm>> -> memref<128x128xf32, #tpu.memory_space<hbm>>
      tpu.wait_dma2 semaphore(%run_scoped3A : memref<!tpu.dma_semaphore, #tpu.memory_space<semaphore_mem>>) src(%dma_wait3A_42 : memref<128x128xf32, #tpu.memory_space<hbm>>) dst(%arg12 : memref<128x128xf32, #tpu.memory_space<vmem>>)
      tpu.yield
    }) : () -> ()
    "tpu.region"() ({
      %run_scoped3A = tpu.sem_alloc : memref<!tpu.dma_semaphore, #tpu.memory_space<semaphore_mem>>
      %dma_start3A_35 = arith.constant 0 : i32
      %dma_start3A_36 = tpu.memref_slice %arg3[%mul3A_2, %dma_start3A_35] : memref<4096x128xf32, #tpu.memory_space<hbm>> -> memref<128x128xf32, #tpu.memory_space<hbm>>
      %dma_start3A_37 = arith.constant 0 : i32
      %dma_start3A_38 = tpu.memref_slice %arg3[%mul3A_2, %dma_start3A_37] : memref<4096x128xf32, #tpu.memory_space<hbm>> -> memref<128x128xf32, #tpu.memory_space<hbm>>
      tpu.enqueue_dma source(%dma_start3A_38 : memref<128x128xf32, #tpu.memory_space<hbm>>) target(%arg13 : memref<128x128xf32, #tpu.memory_space<vmem>>) target_semaphore(%run_scoped3A : memref<!tpu.dma_semaphore, #tpu.memory_space<semaphore_mem>>)
      %dma_wait3A_39 = arith.constant 0 : i32
      %dma_wait3A_40 = tpu.memref_slice %arg3[%mul3A_2, %dma_wait3A_39] : memref<4096x128xf32, #tpu.memory_space<hbm>> -> memref<128x128xf32, #tpu.memory_space<hbm>>
      %dma_wait3A_41 = arith.constant 0 : i32
      %dma_wait3A_42 = tpu.memref_slice %arg3[%mul3A_2, %dma_wait3A_41] : memref<4096x128xf32, #tpu.memory_space<hbm>> -> memref<128x128xf32, #tpu.memory_space<hbm>>
      tpu.wait_dma2 semaphore(%run_scoped3A : memref<!tpu.dma_semaphore, #tpu.memory_space<semaphore_mem>>) src(%dma_wait3A_42 : memref<128x128xf32, #tpu.memory_space<hbm>>) dst(%arg13 : memref<128x128xf32, #tpu.memory_space<vmem>>)
      tpu.yield
    }) : () -> ()
    %scan3A = arith.constant 0 : i32
    %scan3A_3 = arith.constant 0 : i32
    %scan3A_4 = arith.constant 0 : i32
    %scan3A_5 = arith.constant 256 : i32
    %scan3A_6 = arith.addi %scan3A_4, %scan3A_5 : i32
    %scan3A_7 = arith.constant 1 : i32
    %scan3A_8:2 = scf.for %scan3A_35 = %scan3A_4 to %scan3A_6 step %scan3A_7 iter_args(%scan3A_36 = %scan3A, %scan3A_37 = %scan3A_3) -> (i32, i32)  : i32 {
      %mul3A_38 = arith.constant 16 : i32
      %mul3A_39 = arith.muli %scan3A_35, %mul3A_38 : i32
      %get3A = arith.index_cast %mul3A_39 : i32 to index
      %get3A_40 = tpu.vector_load %arg9[%get3A] {strides = array<i32>} : memref<4096xi32, #tpu.memory_space<vmem>>, vector<16xi32>,
      %reduce_sum3A = arith.constant true
      %reduce_sum3A_41 = vector.broadcast %reduce_sum3A : i1 to vector<16xi1>
      %reduce_sum3A_42 = tpu.scan <sum>, %get3A_40 masked %reduce_sum3A_41 : vector<16xi32>, vector<16xi1> -> vector<16xi32>
      %reduce_sum3A_43 = vector.extract %reduce_sum3A_42[15] : i32 from vector<16xi32>
      %add3A_44 = arith.addi %scan3A_36, %reduce_sum3A_43 : i32
      %jit3A = arith.constant 16 : i32
      %div3A = arith.divsi %mul3A_2, %jit3A : i32
      %sign3A = arith.constant 0 : i32
      %sign3A_45 = arith.cmpi sgt, %mul3A_2, %sign3A : i32
      %sign3A_46 = arith.extui %sign3A_45 : i1 to i32
      %sign3A_47 = arith.constant 0 : i32
      %sign3A_48 = arith.cmpi slt, %mul3A_2, %sign3A_47 : i32
      %sign3A_49 = arith.extui %sign3A_48 : i1 to i32
      %sign3A_50 = arith.subi %sign3A_46, %sign3A_49 : i32
      %sign3A_51 = arith.constant 0 : i32
      %sign3A_52 = arith.cmpi sgt, %jit3A, %sign3A_51 : i32
      %sign3A_53 = arith.extui %sign3A_52 : i1 to i32
      %sign3A_54 = arith.constant 0 : i32
      %sign3A_55 = arith.cmpi slt, %jit3A, %sign3A_54 : i32
      %sign3A_56 = arith.extui %sign3A_55 : i1 to i32
      %sign3A_57 = arith.subi %sign3A_53, %sign3A_56 : i32
      %ne3A = arith.cmpi ne, %sign3A_50, %sign3A_57 : i32
      %rem3A = arith.remsi %mul3A_2, %jit3A : i32
      %ne3A_58 = arith.constant 0 : i32
      %ne3A_59 = arith.cmpi ne, %rem3A, %ne3A_58 : i32
      %and3A = arith.andi %ne3A, %ne3A_59 : i1
      %sub3A_60 = arith.constant 1 : i32
      %sub3A_61 = arith.subi %div3A, %sub3A_60 : i32
      %select_n3A = arith.select %and3A, %sub3A_61, %div3A : i32
      %lt3A = arith.cmpi slt, %scan3A_35, %select_n3A : i32
      %jit3A_62 = arith.constant 0 : i32
      %select_n3A_63 = arith.select %lt3A, %reduce_sum3A_43, %jit3A_62 : i32
      %add3A_64 = arith.addi %scan3A_37, %select_n3A_63 : i32
      scf.yield %add3A_44, %add3A_64 : i32, i32
    }
    %scan3A_9 = arith.constant 256 : i32
    %sub3A = arith.constant 4096 : i32
    %sub3A_10 = arith.subi %sub3A, %scan3A_8#0 : i32
    %iota3A = tpu.iota {dimensions = array<i32: 0>} : vector<16xi32>
    %scan3A_11 = arith.constant 0 : i32
    %scan3A_12 = arith.constant 8 : i32
    %scan3A_13 = arith.addi %scan3A_11, %scan3A_12 : i32
    %scan3A_14 = arith.constant 1 : i32
    %scan3A_15 = scf.for %scan3A_35 = %scan3A_11 to %scan3A_13 step %scan3A_14 iter_args(%scan3A_36 = %scan3A_8#1) -> (i32)  : i32 {
      %mul3A_37 = arith.constant 16 : i32
      %mul3A_38 = arith.muli %scan3A_35, %mul3A_37 : i32
      %add3A_39 = arith.addi %mul3A_2, %mul3A_38 : i32
      %get3A = arith.index_cast %add3A_39 : i32 to index
      %get3A_40 = tpu.vector_load %arg9[%get3A] {strides = array<i32>} : memref<4096xi32, #tpu.memory_space<vmem>>, vector<16xi32>,
      %broadcast_in_dim3A = arith.constant true
      %broadcast_in_dim3A_41 = vector.broadcast %broadcast_in_dim3A : i1 to vector<16xi1>
      %masked_cumsum3A = tpu.scan <sum>, %get3A_40 masked %broadcast_in_dim3A_41 : vector<16xi32>, vector<16xi1> -> vector<16xi32>
      %add3A_42 = vector.broadcast %scan3A_36 : i32 to vector<16xi32>
      %add3A_43 = arith.addi %add3A_42, %masked_cumsum3A : vector<16xi32>
      %sub3A_44 = arith.subi %add3A_43, %get3A_40 : vector<16xi32>
      %mul3A_45 = arith.constant 16 : i32
      %mul3A_46 = arith.muli %scan3A_35, %mul3A_45 : i32
      %add3A_47 = arith.addi %mul3A_2, %mul3A_46 : i32
      %add3A_48 = vector.broadcast %add3A_47 : i32 to vector<16xi32>
      %add3A_49 = arith.addi %add3A_48, %iota3A : vector<16xi32>
      %sub3A_50 = arith.subi %add3A_49, %sub3A_44 : vector<16xi32>
      %eq3A_51 = arith.constant 1 : i32
      %eq3A_52 = vector.broadcast %eq3A_51 : i32 to vector<16xi32>
      %eq3A_53 = arith.cmpi eq, %get3A_40, %eq3A_52 : vector<16xi32>
      %add3A_54 = vector.broadcast %scan3A_8#0 : i32 to vector<16xi32>
      %add3A_55 = arith.addi %add3A_54, %sub3A_50 : vector<16xi32>
      %select_n3A = arith.select %eq3A_53, %sub3A_44, %add3A_55 : vector<16xi1>, vector<16xi32>
      %eq3A_56 = arith.constant 0 : i32
      %eq3A_57 = vector.broadcast %eq3A_56 : i32 to vector<16xi32>
      %eq3A_58 = arith.cmpi eq, %get3A_40, %eq3A_57 : vector<16xi32>
      %add3A_59 = vector.broadcast %sub3A_10 : i32 to vector<16xi32>
      %add3A_60 = arith.addi %add3A_59, %sub3A_44 : vector<16xi32>
      %select_n3A_61 = arith.select %eq3A_58, %sub3A_50, %add3A_60 : vector<16xi1>, vector<16xi32>
      %mul3A_62 = arith.constant 16 : i32
      %mul3A_63 = arith.muli %scan3A_35, %mul3A_62 : i32
      %swap3A = arith.index_cast %mul3A_63 : i32 to index
      %swap3A_64 = tpu.vector_load %arg10[%swap3A] {strides = array<i32>} : memref<128xi32, #tpu.memory_space<vmem>>, vector<16xi32>,
      tpu.vector_store %arg10[%swap3A], %select_n3A {strides = array<i32>} : memref<128xi32, #tpu.memory_space<vmem>>, vector<16xi32>,
      %mul3A_65 = arith.constant 16 : i32
      %mul3A_66 = arith.muli %scan3A_35, %mul3A_65 : i32
      %swap3A_67 = arith.index_cast %mul3A_66 : i32 to index
      %swap3A_68 = tpu.vector_load %arg11[%swap3A_67] {strides = array<i32>} : memref<128xi32, #tpu.memory_space<vmem>>, vector<16xi32>,
      tpu.vector_store %arg11[%swap3A_67], %select_n3A_61 {strides = array<i32>} : memref<128xi32, #tpu.memory_space<vmem>>, vector<16xi32>,
      %reduce_sum3A = arith.constant true
      %reduce_sum3A_69 = vector.broadcast %reduce_sum3A : i1 to vector<16xi1>
      %reduce_sum3A_70 = tpu.scan <sum>, %get3A_40 masked %reduce_sum3A_69 : vector<16xi32>, vector<16xi1> -> vector<16xi32>
      %reduce_sum3A_71 = vector.extract %reduce_sum3A_70[15] : i32 from vector<16xi32>
      %add3A_72 = arith.addi %scan3A_36, %reduce_sum3A_71 : i32
      scf.yield %add3A_72 : i32
    }
    %scan3A_16 = arith.constant 8 : i32
    %dma_start3A = arith.constant 0 : i32
    %dma_start3A_17 = arith.constant 0 : i32
    %dma_start3A_18 = tpu.memref_slice %arg5[%dma_start3A, %dma_start3A_17] : memref<4096x128xf32, #tpu.memory_space<hbm>> -> memref<4096x128xf32, #tpu.memory_space<hbm>>
    tpu.enqueue_indirect_dma source(%arg12 : memref<128x128xf32, #tpu.memory_space<vmem>>) target(%dma_start3A_18 : memref<4096x128xf32, #tpu.memory_space<hbm>>) offsets(%arg10 : memref<128xi32, #tpu.memory_space<vmem>>) semaphore(%arg15 : memref<!tpu.dma_semaphore, #tpu.memory_space<semaphore_mem>>)
    %dma_start3A_19 = arith.constant 0 : i32
    %dma_start3A_20 = arith.constant 0 : i32
    %dma_start3A_21 = tpu.memref_slice %arg6[%dma_start3A_19, %dma_start3A_20] : memref<4096x128xf32, #tpu.memory_space<hbm>> -> memref<4096x128xf32, #tpu.memory_space<hbm>>
    tpu.enqueue_indirect_dma source(%arg13 : memref<128x128xf32, #tpu.memory_space<vmem>>) target(%dma_start3A_21 : memref<4096x128xf32, #tpu.memory_space<hbm>>) offsets(%arg10 : memref<128xi32, #tpu.memory_space<vmem>>) semaphore(%arg16 : memref<!tpu.dma_semaphore, #tpu.memory_space<semaphore_mem>>)
    %dma_start3A_22 = arith.constant 0 : i32
    %dma_start3A_23 = arith.constant 0 : i32
    %dma_start3A_24 = tpu.memref_slice %arg7[%dma_start3A_22, %dma_start3A_23] : memref<4096x128xf32, #tpu.memory_space<hbm>> -> memref<4096x128xf32, #tpu.memory_space<hbm>>
    tpu.enqueue_indirect_dma source(%arg13 : memref<128x128xf32, #tpu.memory_space<vmem>>) target(%dma_start3A_24 : memref<4096x128xf32, #tpu.memory_space<hbm>>) offsets(%arg11 : memref<128xi32, #tpu.memory_space<vmem>>) semaphore(%arg17 : memref<!tpu.dma_semaphore, #tpu.memory_space<semaphore_mem>>)
    %eq3A = arith.constant 0 : i32
    %eq3A_25 = arith.cmpi eq, %add3A, %eq3A : i32
    %convert_element_type3A = arith.extui %eq3A_25 : i1 to i32
    %cond3A = arith.constant 0 : i32
    %cond3A_26 = arith.cmpi ne, %convert_element_type3A, %cond3A : i32
    scf.if %cond3A_26 {
      %eq3A_35 = arith.constant 0 : i32
      %eq3A_36 = vector.broadcast %eq3A_35 : i32 to vector<16xi32>
      %eq3A_37 = arith.cmpi eq, %iota3A, %eq3A_36 : vector<16xi32>
      %eq3A_38 = arith.constant 1 : i32
      %eq3A_39 = vector.broadcast %eq3A_38 : i32 to vector<16xi32>
      %eq3A_40 = arith.cmpi eq, %iota3A, %eq3A_39 : vector<16xi32>
      %jit3A = arith.constant 0 : i32
      %broadcast_in_dim3A = vector.broadcast %sub3A_10 : i32 to vector<16xi32>
      %broadcast_in_dim3A_41 = vector.broadcast %jit3A : i32 to vector<16xi32>
      %select_n3A = arith.select %eq3A_40, %broadcast_in_dim3A, %broadcast_in_dim3A_41 : vector<16xi1>, vector<16xi32>
      %broadcast_in_dim3A_42 = vector.broadcast %scan3A_8#0 : i32 to vector<16xi32>
      %select_n3A_43 = arith.select %eq3A_37, %broadcast_in_dim3A_42, %select_n3A : vector<16xi1>, vector<16xi32>
      %swap3A = arith.constant 0 : index
      %swap3A_44 = tpu.vector_load %arg14[%swap3A] {strides = array<i32>} : memref<16xi32, #tpu.memory_space<vmem>>, vector<16xi32>,
      tpu.vector_store %arg14[%swap3A], %select_n3A_43 {strides = array<i32>} : memref<16xi32, #tpu.memory_space<vmem>>, vector<16xi32>,
      tpu.enqueue_dma source(%arg14 : memref<16xi32, #tpu.memory_space<vmem>>) target(%arg8 : memref<16xi32, #tpu.memory_space<hbm>>) target_semaphore(%arg18 : memref<!tpu.dma_semaphore, #tpu.memory_space<semaphore_mem>>)
      tpu.wait_dma2 semaphore(%arg18 : memref<!tpu.dma_semaphore, #tpu.memory_space<semaphore_mem>>) src(%arg14 : memref<16xi32, #tpu.memory_space<vmem>>) dst(%arg8 : memref<16xi32, #tpu.memory_space<hbm>>)
    } else {
    }
    %dma_wait3A = arith.constant 0 : i32
    %dma_wait3A_27 = arith.constant 0 : i32
    %dma_wait3A_28 = tpu.memref_slice %arg5[%dma_wait3A, %dma_wait3A_27] : memref<4096x128xf32, #tpu.memory_space<hbm>> -> memref<4096x128xf32, #tpu.memory_space<hbm>>
    tpu.wait_indirect_dma semaphore(%arg15 : memref<!tpu.dma_semaphore, #tpu.memory_space<semaphore_mem>>) src(%arg12 : memref<128x128xf32, #tpu.memory_space<vmem>>) dst(%dma_wait3A_28 : memref<4096x128xf32, #tpu.memory_space<hbm>>)
    %dma_wait3A_29 = arith.constant 0 : i32
    %dma_wait3A_30 = arith.constant 0 : i32
    %dma_wait3A_31 = tpu.memref_slice %arg6[%dma_wait3A_29, %dma_wait3A_30] : memref<4096x128xf32, #tpu.memory_space<hbm>> -> memref<4096x128xf32, #tpu.memory_space<hbm>>
    tpu.wait_indirect_dma semaphore(%arg16 : memref<!tpu.dma_semaphore, #tpu.memory_space<semaphore_mem>>) src(%arg13 : memref<128x128xf32, #tpu.memory_space<vmem>>) dst(%dma_wait3A_31 : memref<4096x128xf32, #tpu.memory_space<hbm>>)
    %dma_wait3A_32 = arith.constant 0 : i32
    %dma_wait3A_33 = arith.constant 0 : i32
    %dma_wait3A_34 = tpu.memref_slice %arg7[%dma_wait3A_32, %dma_wait3A_33] : memref<4096x128xf32, #tpu.memory_space<hbm>> -> memref<4096x128xf32, #tpu.memory_space<hbm>>
    tpu.wait_indirect_dma semaphore(%arg17 : memref<!tpu.dma_semaphore, #tpu.memory_space<semaphore_mem>>) src(%arg13 : memref<128x128xf32, #tpu.memory_space<vmem>>) dst(%dma_wait3A_34 : memref<4096x128xf32, #tpu.memory_space<hbm>>)
    return
  }
}

module attributes {stable_mosaic.version = 14 : i64} {
  func.func @_hybrid_loss_kernel(%arg0: i32, %arg1: memref<16xi32, #tpu.memory_space<smem>>, %arg2: memref<1024x128xf32, #tpu.memory_space<vmem>>, %arg3: memref<1024x128xf32, #tpu.memory_space<vmem>>, %arg4: memref<4096x128xf32, #tpu.memory_space<vmem>>, %arg5: memref<1xf32, #tpu.memory_space<smem>>, %arg6: memref<4096x128xbf16, #tpu.memory_space<vmem>>, %arg7: memref<1x4096xf32, #tpu.memory_space<vmem>>, %arg8: memref<2xf32, #tpu.memory_space<smem>>) attributes {dimension_semantics = [#tpu.dimension_semantics<arbitrary>], iteration_bounds = array<i64: 4>, scalar_prefetch = 0 : i64, scratch_operands = 3 : i64, tpu.core_type = #tpu.core_type<tc>, window_params = [{transform_indices = @transform_0, window_bounds = array<i64: 16>}, {transform_indices = @transform_1, window_bounds = array<i64: 1024, 128>}, {transform_indices = @transform_2, window_bounds = array<i64: 1024, 128>}, {pipeline_mode = #tpu.pipeline_mode<synchronous>, transform_indices = @transform_3, window_bounds = array<i64: 4096, 128>}, {transform_indices = @transform_4, window_bounds = array<i64: 1>}]} {
    %get3A = arith.constant 0 : index
    %get3A_0 = memref.load %arg1[%get3A] : memref<16xi32, #tpu.memory_space<smem>>
    %get3A_1 = arith.constant 1 : index
    %get3A_2 = memref.load %arg1[%get3A_1] : memref<16xi32, #tpu.memory_space<smem>>
    %eq3A = arith.constant 0 : i32
    %eq3A_3 = arith.cmpi eq, %arg0, %eq3A : i32
    %convert_element_type3A = arith.extui %eq3A_3 : i1 to i32
    %cond3A = arith.constant 0 : i32
    %cond3A_4 = arith.cmpi ne, %convert_element_type3A, %cond3A : i32
    scf.if %cond3A_4 {
      %swap3A_66 = arith.constant 0.000000e+00 : f32
      %swap3A_67 = arith.constant 0 : index
      %swap3A_68 = memref.load %arg8[%swap3A_67] : memref<2xf32, #tpu.memory_space<smem>>
      memref.store %swap3A_66, %arg8[%swap3A_67] : memref<2xf32, #tpu.memory_space<smem>>
      %swap3A_69 = arith.constant 0.000000e+00 : f32
      %swap3A_70 = arith.constant 1 : index
      %swap3A_71 = memref.load %arg8[%swap3A_70] : memref<2xf32, #tpu.memory_space<smem>>
      memref.store %swap3A_69, %arg8[%swap3A_70] : memref<2xf32, #tpu.memory_space<smem>>
      %get3A_72 = arith.constant 0 : index
      %get3A_73 = arith.constant 0 : index
      %get3A_74 = vector.load %arg4[%get3A_72, %get3A_73] : memref<4096x128xf32, #tpu.memory_space<vmem>>, vector<4096x128xf32>
      %convert_element_type3A_75 = arith.truncf %get3A_74 : vector<4096x128xf32> to vector<4096x128xbf16>
      %swap3A_76 = arith.constant 0 : index
      %swap3A_77 = arith.constant 0 : index
      %swap3A_78 = vector.load %arg6[%swap3A_76, %swap3A_77] : memref<4096x128xbf16, #tpu.memory_space<vmem>>, vector<4096x128xbf16>
      tpu.vector_store %arg6[%swap3A_76, %swap3A_77], %convert_element_type3A_75 {strides = array<i32>} : memref<4096x128xbf16, #tpu.memory_space<vmem>>, vector<4096x128xbf16>,
      %iota3A_79 = tpu.iota {dimensions = array<i32: 1>} : vector<1x4096xi32>
      %ge3A = vector.broadcast %get3A_2 : i32 to vector<1x4096xi32>
      %ge3A_80 = arith.cmpi sge, %iota3A_79, %ge3A : vector<1x4096xi32>
      %jit3A_81 = arith.constant 4.000000e+00 : f32
      %jit3A_82 = arith.constant 0.000000e+00 : f32
      %broadcast_in_dim3A_83 = vector.broadcast %jit3A_81 : f32 to vector<1x4096xf32>
      %broadcast_in_dim3A_84 = vector.broadcast %jit3A_82 : f32 to vector<1x4096xf32>
      %select_n3A_85 = arith.select %ge3A_80, %broadcast_in_dim3A_83, %broadcast_in_dim3A_84 : vector<1x4096xi1>, vector<1x4096xf32>
      %swap3A_86 = arith.constant 0 : index
      %swap3A_87 = arith.constant 0 : index
      %swap3A_88 = vector.load %arg7[%swap3A_86, %swap3A_87] : memref<1x4096xf32, #tpu.memory_space<vmem>>, vector<1x4096xf32>
      tpu.vector_store %arg7[%swap3A_86, %swap3A_87], %select_n3A_85 {strides = array<i32>} : memref<1x4096xf32, #tpu.memory_space<vmem>>, vector<1x4096xf32>,
    } else {
    }
    %get3A_5 = arith.constant 0 : index
    %get3A_6 = arith.constant 0 : index
    %get3A_7 = vector.load %arg2[%get3A_5, %get3A_6] : memref<1024x128xf32, #tpu.memory_space<vmem>>, vector<1024x128xf32>
    %get3A_8 = arith.constant 0 : index
    %get3A_9 = arith.constant 0 : index
    %get3A_10 = vector.load %arg3[%get3A_8, %get3A_9] : memref<1024x128xf32, #tpu.memory_space<vmem>>, vector<1024x128xf32>
    %iota3A = tpu.iota {dimensions = array<i32: 1>} : vector<1x1024xi32>
    %mul3A = arith.constant 1024 : i32
    %mul3A_11 = arith.muli %arg0, %mul3A : i32
    %add3A = vector.broadcast %mul3A_11 : i32 to vector<1x1024xi32>
    %add3A_12 = arith.addi %iota3A, %add3A : vector<1x1024xi32>
    %lt3A = vector.broadcast %get3A_0 : i32 to vector<1x1024xi32>
    %lt3A_13 = arith.cmpi slt, %add3A_12, %lt3A : vector<1x1024xi32>
    %convert_element_type3A_14 = arith.extui %lt3A_13 : vector<1x1024xi1> to vector<1x1024xi32>
    %convert_element_type3A_15 = arith.sitofp %convert_element_type3A_14 : vector<1x1024xi32> to vector<1x1024xf32>
    %sub3A = arith.subf %get3A_7, %get3A_10 : vector<1024x128xf32>
    %add3A_16 = arith.constant 9.99999997E-7 : f32
    %add3A_17 = vector.broadcast %add3A_16 : f32 to vector<1024x128xf32>
    %add3A_18 = arith.addf %sub3A, %add3A_17 : vector<1024x128xf32>
    %mul3A_19 = arith.mulf %add3A_18, %add3A_18 : vector<1024x128xf32>
    %broadcast_in_dim3A = arith.constant 1.000000e+00 : f32
    %broadcast_in_dim3A_20 = vector.broadcast %broadcast_in_dim3A : f32 to vector<1x128xf32>
    %dot_general3A = arith.constant dense<0.000000e+00> : vector<1x1024xf32>
    %dot_general3A_21 = tpu.matmul %broadcast_in_dim3A_20, %mul3A_19, %dot_general3A {dimension_numbers = #tpu.dot_dimension_numbers<[1], [1], [0], [0], [0, 0, 1, 0], [], []>, precision = #tpu.contract_precision<fp32>, transpose_lhs_hint = false} : vector<1x128xf32>, vector<1024x128xf32>, vector<1x1024xf32> -> vector<1x1024xf32>
    %sqrt3A = math.sqrt %dot_general3A_21 : vector<1x1024xf32>
    %sub3A_22 = arith.constant 5.000000e-01 : f32
    %sub3A_23 = vector.broadcast %sub3A_22 : f32 to vector<1x1024xf32>
    %sub3A_24 = arith.subf %sub3A_23, %sqrt3A : vector<1x1024xf32>
    %max3A = arith.constant 0.000000e+00 : f32
    %max3A_25 = vector.broadcast %max3A : f32 to vector<1x1024xf32>
    %max3A_26 = arith.maximumf %sub3A_24, %max3A_25 : vector<1x1024xf32>
    %mul3A_27 = arith.mulf %convert_element_type3A_15, %dot_general3A_21 : vector<1x1024xf32>
    %sub3A_28 = arith.constant 1.000000e+00 : f32
    %sub3A_29 = vector.broadcast %sub3A_28 : f32 to vector<1x1024xf32>
    %sub3A_30 = arith.subf %sub3A_29, %convert_element_type3A_15 : vector<1x1024xf32>
    %mul3A_31 = arith.mulf %sub3A_30, %max3A_26 : vector<1x1024xf32>
    %mul3A_32 = arith.mulf %mul3A_31, %max3A_26 : vector<1x1024xf32>
    %eq3A_33 = arith.constant 0.000000e+00 : f32
    %eq3A_34 = vector.broadcast %eq3A_33 : f32 to vector<1x1024xf32>
    %eq3A_35 = arith.cmpf oeq, %convert_element_type3A_15, %eq3A_34 : vector<1x1024xf32>
    %lt3A_36 = arith.constant 5.000000e-01 : f32
    %lt3A_37 = vector.broadcast %lt3A_36 : f32 to vector<1x1024xf32>
    %lt3A_38 = arith.cmpf olt, %sqrt3A, %lt3A_37 : vector<1x1024xf32>
    %and3A = arith.andi %eq3A_35, %lt3A_38 : vector<1x1024xi1>
    %jit3A = arith.constant 2.000000e+00 : f32
    %jit3A_39 = arith.constant 1.000000e+00 : f32
    %broadcast_in_dim3A_40 = vector.broadcast %jit3A : f32 to vector<1x1024xf32>
    %broadcast_in_dim3A_41 = vector.broadcast %jit3A_39 : f32 to vector<1x1024xf32>
    %select_n3A = arith.select %and3A, %broadcast_in_dim3A_40, %broadcast_in_dim3A_41 : vector<1x1024xi1>, vector<1x1024xf32>
    %get3A_42 = arith.constant 0 : index
    %get3A_43 = memref.load %arg8[%get3A_42] : memref<2xf32, #tpu.memory_space<smem>>
    %add3A_44 = arith.addf %mul3A_27, %mul3A_32 : vector<1x1024xf32>
    %mul3A_45 = arith.constant 5.000000e-01 : f32
    %mul3A_46 = vector.broadcast %mul3A_45 : f32 to vector<1x1024xf32>
    %mul3A_47 = arith.mulf %mul3A_46, %add3A_44 : vector<1x1024xf32>
    %mul3A_48 = arith.mulf %mul3A_47, %select_n3A : vector<1x1024xf32>
    %reduce_sum3A = vector.shape_cast %mul3A_48 : vector<1x1024xf32> to vector<1x1x1024xf32>
    %reduce_sum3A_49 = arith.constant dense<0.000000e+00> : vector<1xf32>
    %reduce_sum3A_50 = vector.multi_reduction <add>, %reduce_sum3A, %reduce_sum3A_49 [1, 2] : vector<1x1x1024xf32> to vector<1xf32>
    %reduce_sum3A_51 = vector.shape_cast %reduce_sum3A_50 : vector<1xf32> to vector<1x1x1xf32>
    %reduce_sum3A_52 = vector.extract %reduce_sum3A_51[0, 0, 0] : f32 from vector<1x1x1xf32>
    %add3A_53 = arith.addf %get3A_43, %reduce_sum3A_52 : f32
    %swap3A = arith.constant 0 : index
    %swap3A_54 = memref.load %arg8[%swap3A] : memref<2xf32, #tpu.memory_space<smem>>
    memref.store %add3A_53, %arg8[%swap3A] : memref<2xf32, #tpu.memory_space<smem>>
    %mul3A_55 = arith.constant 1024 : i32
    %mul3A_56 = arith.muli %arg0, %mul3A_55 : i32
    %lt3A_57 = arith.cmpi slt, %mul3A_56, %get3A_0 : i32
    %convert_element_type3A_58 = arith.extui %lt3A_57 : i1 to i32
    %cond3A_59 = arith.constant 0 : i32
    %cond3A_60 = arith.cmpi ne, %convert_element_type3A_58, %cond3A_59 : i32
    scf.if %cond3A_60 {
      %convert_element_type3A_66 = arith.truncf %get3A_7 : vector<1024x128xf32> to vector<1024x128xbf16>
      %add3A_67 = arith.constant 1024 : i32
      %add3A_68 = arith.addi %get3A_2, %add3A_67 : i32
      %sub3A_69 = arith.constant 1 : i32
      %sub3A_70 = arith.subi %add3A_68, %sub3A_69 : i32
      %jit3A_71 = arith.constant 1024 : i32
      %div3A = arith.divsi %sub3A_70, %jit3A_71 : i32
      %sign3A = arith.constant 0 : i32
      %sign3A_72 = arith.cmpi sgt, %sub3A_70, %sign3A : i32
      %sign3A_73 = arith.extui %sign3A_72 : i1 to i32
      %sign3A_74 = arith.constant 0 : i32
      %sign3A_75 = arith.cmpi slt, %sub3A_70, %sign3A_74 : i32
      %sign3A_76 = arith.extui %sign3A_75 : i1 to i32
      %sign3A_77 = arith.subi %sign3A_73, %sign3A_76 : i32
      %sign3A_78 = arith.constant 0 : i32
      %sign3A_79 = arith.cmpi sgt, %jit3A_71, %sign3A_78 : i32
      %sign3A_80 = arith.extui %sign3A_79 : i1 to i32
      %sign3A_81 = arith.constant 0 : i32
      %sign3A_82 = arith.cmpi slt, %jit3A_71, %sign3A_81 : i32
      %sign3A_83 = arith.extui %sign3A_82 : i1 to i32
      %sign3A_84 = arith.subi %sign3A_80, %sign3A_83 : i32
      %ne3A = arith.cmpi ne, %sign3A_77, %sign3A_84 : i32
      %rem3A = arith.remsi %sub3A_70, %jit3A_71 : i32
      %ne3A_85 = arith.constant 0 : i32
      %ne3A_86 = arith.cmpi ne, %rem3A, %ne3A_85 : i32
      %and3A_87 = arith.andi %ne3A, %ne3A_86 : i1
      %sub3A_88 = arith.constant 1 : i32
      %sub3A_89 = arith.subi %div3A, %sub3A_88 : i32
      %select_n3A_90 = arith.select %and3A_87, %sub3A_89, %div3A : i32
      %broadcast_in_dim3A_91 = arith.constant -4.000000e+00 : f32
      %broadcast_in_dim3A_92 = vector.broadcast %broadcast_in_dim3A_91 : f32 to vector<1024x1xf32>
      %while3A = arith.constant 0 : i32
      %while3A_93 = arith.subi %select_n3A_90, %while3A : i32
      %while3A_94 = arith.addi %while3A, %while3A_93 : i32
      %while3A_95 = arith.constant 1 : i32
      %while3A_96 = arith.divsi %while3A_93, %while3A_95 : i32
      %while3A_97 = arith.muli %while3A_96, %while3A_95 : i32
      %while3A_98 = arith.addi %while3A, %while3A_97 : i32
      %while3A_99 = arith.constant 1 : i32
      %while3A_100 = scf.for %while3A_131 = %while3A to %while3A_98 step %while3A_99 iter_args(%while3A_132 = %broadcast_in_dim3A_92) -> (vector<1024x1xf32>)  : i32 {
        %mul3A_133 = arith.constant 1024 : i32
        %mul3A_134 = arith.muli %while3A_131, %mul3A_133 : i32
        %get3A_135 = arith.index_cast %mul3A_134 : i32 to index
        %get3A_136 = arith.constant 0 : index
        %get3A_137 = vector.load %arg6[%get3A_135, %get3A_136] : memref<4096x128xbf16, #tpu.memory_space<vmem>>, vector<1024x128xbf16>
        %dot_general3A_138 = arith.constant dense<0.000000e+00> : vector<1024x1024xf32>
        %dot_general3A_139 = tpu.matmul %convert_element_type3A_66, %get3A_137, %dot_general3A_138 {dimension_numbers = #tpu.dot_dimension_numbers<[1], [1], [0], [0], [0, 0, 1, 0], [], []>, transpose_lhs_hint = false} : vector<1024x128xbf16>, vector<1024x128xbf16>, vector<1024x1024xf32> -> vector<1024x1024xf32>
        %mul3A_140 = arith.constant 1024 : i32
        %mul3A_141 = arith.muli %while3A_131, %mul3A_140 : i32
        %get3A_142 = arith.constant 0 : index
        %get3A_143 = arith.index_cast %mul3A_141 : i32 to index
        %get3A_144 = vector.load %arg7[%get3A_142, %get3A_143] : memref<1x4096xf32, #tpu.memory_space<vmem>>, vector<1x1024xf32>
        %sub3A_145 = vector.broadcast %get3A_144 : vector<1x1024xf32> to vector<1024x1024xf32>
        %sub3A_146 = arith.subf %dot_general3A_139, %sub3A_145 : vector<1024x1024xf32>
        %reduce_max3A = arith.constant dense<0xFF800000> : vector<1024xf32>
        %reduce_max3A_147 = vector.multi_reduction <maximumf>, %sub3A_146, %reduce_max3A [1] : vector<1024x1024xf32> to vector<1024xf32>
        %broadcast_in_dim3A_148 = vector.shape_cast %reduce_max3A_147 : vector<1024xf32> to vector<1024x1xf32>
        %max3A_149 = arith.maximumf %while3A_132, %broadcast_in_dim3A_148 : vector<1024x1xf32>
        scf.yield %max3A_149 : vector<1024x1xf32>
      }
      %while3A_101 = arith.constant 1 : i32
      %while3A_102 = scf.for %while3A_131 = %while3A_98 to %while3A_94 step %while3A_101 iter_args(%while3A_132 = %while3A_100) -> (vector<1024x1xf32>)  : i32 {
        %mul3A_133 = arith.constant 1024 : i32
        %mul3A_134 = arith.muli %while3A_131, %mul3A_133 : i32
        %get3A_135 = arith.index_cast %mul3A_134 : i32 to index
        %get3A_136 = arith.constant 0 : index
        %get3A_137 = vector.load %arg6[%get3A_135, %get3A_136] : memref<4096x128xbf16, #tpu.memory_space<vmem>>, vector<1024x128xbf16>
        %dot_general3A_138 = arith.constant dense<0.000000e+00> : vector<1024x1024xf32>
        %dot_general3A_139 = tpu.matmul %convert_element_type3A_66, %get3A_137, %dot_general3A_138 {dimension_numbers = #tpu.dot_dimension_numbers<[1], [1], [0], [0], [0, 0, 1, 0], [], []>, transpose_lhs_hint = false} : vector<1024x128xbf16>, vector<1024x128xbf16>, vector<1024x1024xf32> -> vector<1024x1024xf32>
        %mul3A_140 = arith.constant 1024 : i32
        %mul3A_141 = arith.muli %while3A_131, %mul3A_140 : i32
        %get3A_142 = arith.constant 0 : index
        %get3A_143 = arith.index_cast %mul3A_141 : i32 to index
        %get3A_144 = vector.load %arg7[%get3A_142, %get3A_143] : memref<1x4096xf32, #tpu.memory_space<vmem>>, vector<1x1024xf32>
        %sub3A_145 = vector.broadcast %get3A_144 : vector<1x1024xf32> to vector<1024x1024xf32>
        %sub3A_146 = arith.subf %dot_general3A_139, %sub3A_145 : vector<1024x1024xf32>
        %reduce_max3A = arith.constant dense<0xFF800000> : vector<1024xf32>
        %reduce_max3A_147 = vector.multi_reduction <maximumf>, %sub3A_146, %reduce_max3A [1] : vector<1024x1024xf32> to vector<1024xf32>
        %broadcast_in_dim3A_148 = vector.shape_cast %reduce_max3A_147 : vector<1024xf32> to vector<1024x1xf32>
        %max3A_149 = arith.maximumf %while3A_132, %broadcast_in_dim3A_148 : vector<1024x1xf32>
        scf.yield %max3A_149 : vector<1024x1xf32>
      }
      %reshape3A = vector.shape_cast %while3A_102 : vector<1024x1xf32> to vector<1x1024xf32>
      %mul3A_103 = arith.constant 2.000000e+00 : f32
      %mul3A_104 = vector.broadcast %mul3A_103 : f32 to vector<1x1024xf32>
      %mul3A_105 = arith.mulf %mul3A_104, %reshape3A : vector<1x1024xf32>
      %sub3A_106 = arith.constant 2.000000e+00 : f32
      %sub3A_107 = vector.broadcast %sub3A_106 : f32 to vector<1x1024xf32>
      %sub3A_108 = arith.subf %sub3A_107, %mul3A_105 : vector<1x1024xf32>
      %max3A_109 = arith.constant 9.99999996E-13 : f32
      %max3A_110 = vector.broadcast %max3A_109 : f32 to vector<1x1024xf32>
      %max3A_111 = arith.maximumf %sub3A_108, %max3A_110 : vector<1x1024xf32>
      %sqrt3A_112 = math.sqrt %max3A_111 : vector<1x1024xf32>
      %sub3A_113 = arith.subf %sqrt3A, %sqrt3A_112 : vector<1x1024xf32>
      %add3A_114 = arith.constant 2.000000e-01 : f32
      %add3A_115 = vector.broadcast %add3A_114 : f32 to vector<1x1024xf32>
      %add3A_116 = arith.addf %sub3A_113, %add3A_115 : vector<1x1024xf32>
      %max3A_117 = arith.constant 0.000000e+00 : f32
      %max3A_118 = vector.broadcast %max3A_117 : f32 to vector<1x1024xf32>
      %max3A_119 = arith.maximumf %add3A_116, %max3A_118 : vector<1x1024xf32>
      %mul3A_120 = arith.mulf %max3A_119, %convert_element_type3A_15 : vector<1x1024xf32>
      %get3A_121 = arith.constant 1 : index
      %get3A_122 = memref.load %arg8[%get3A_121] : memref<2xf32, #tpu.memory_space<smem>>
      %reduce_sum3A_123 = vector.shape_cast %mul3A_120 : vector<1x1024xf32> to vector<1x1x1024xf32>
      %reduce_sum3A_124 = arith.constant dense<0.000000e+00> : vector<1xf32>
      %reduce_sum3A_125 = vector.multi_reduction <add>, %reduce_sum3A_123, %reduce_sum3A_124 [1, 2] : vector<1x1x1024xf32> to vector<1xf32>
      %reduce_sum3A_126 = vector.shape_cast %reduce_sum3A_125 : vector<1xf32> to vector<1x1x1xf32>
      %reduce_sum3A_127 = vector.extract %reduce_sum3A_126[0, 0, 0] : f32 from vector<1x1x1xf32>
      %add3A_128 = arith.addf %get3A_122, %reduce_sum3A_127 : f32
      %swap3A_129 = arith.constant 1 : index
      %swap3A_130 = memref.load %arg8[%swap3A_129] : memref<2xf32, #tpu.memory_space<smem>>
      memref.store %add3A_128, %arg8[%swap3A_129] : memref<2xf32, #tpu.memory_space<smem>>
    } else {
    }
    %eq3A_61 = arith.constant 3 : i32
    %eq3A_62 = arith.cmpi eq, %arg0, %eq3A_61 : i32
    %convert_element_type3A_63 = arith.extui %eq3A_62 : i1 to i32
    %cond3A_64 = arith.constant 0 : i32
    %cond3A_65 = arith.cmpi ne, %convert_element_type3A_63, %cond3A_64 : i32
    scf.if %cond3A_65 {
      %convert_element_type3A_66 = arith.sitofp %get3A_0 : i32 to f32
      %get3A_67 = arith.constant 0 : index
      %get3A_68 = memref.load %arg8[%get3A_67] : memref<2xf32, #tpu.memory_space<smem>>
      %div3A = arith.constant 4.096000e+03 : f32
      %div3A_69 = arith.divf %get3A_68, %div3A : f32
      %gt3A = arith.constant 0 : i32
      %gt3A_70 = arith.cmpi sgt, %get3A_0, %gt3A : i32
      %gt3A_71 = arith.constant 0 : i32
      %gt3A_72 = arith.cmpi sgt, %get3A_2, %gt3A_71 : i32
      %and3A_73 = arith.andi %gt3A_70, %gt3A_72 : i1
      %get3A_74 = arith.constant 1 : index
      %get3A_75 = memref.load %arg8[%get3A_74] : memref<2xf32, #tpu.memory_space<smem>>
      %max3A_76 = arith.constant 1.000000e+00 : f32
      %max3A_77 = arith.maximumf %convert_element_type3A_66, %max3A_76 : f32
      %div3A_78 = arith.divf %get3A_75, %max3A_77 : f32
      %jit3A_79 = arith.constant 0.000000e+00 : f32
      %select_n3A_80 = arith.select %and3A_73, %div3A_78, %jit3A_79 : f32
      %mul3A_81 = arith.constant 5.000000e-01 : f32
      %mul3A_82 = arith.mulf %mul3A_81, %div3A_69 : f32
      %mul3A_83 = arith.constant 5.000000e-01 : f32
      %mul3A_84 = arith.mulf %mul3A_83, %select_n3A_80 : f32
      %add3A_85 = arith.addf %mul3A_82, %mul3A_84 : f32
      %swap3A_86 = arith.constant 0 : index
      %swap3A_87 = memref.load %arg5[%swap3A_86] : memref<1xf32, #tpu.memory_space<smem>>
      memref.store %add3A_85, %arg5[%swap3A_86] : memref<1xf32, #tpu.memory_space<smem>>
    } else {
    }
    return
  }
  func.func @transform_0(%arg0: i32) -> i32 {
    %c0_i32 = arith.constant 0 : i32
    %c0_i32_0 = arith.constant 0 : i32
    return %c0_i32 : i32
  }
  func.func @transform_1(%arg0: i32) -> (i32, i32) {
    %c0_i32 = arith.constant 0 : i32
    %c0_i32_0 = arith.constant 0 : i32
    return %arg0, %c0_i32 : i32, i32
  }
  func.func @transform_2(%arg0: i32) -> (i32, i32) {
    %c0_i32 = arith.constant 0 : i32
    %c0_i32_0 = arith.constant 0 : i32
    return %arg0, %c0_i32 : i32, i32
  }
  func.func @transform_3(%arg0: i32) -> (i32, i32) {
    %c0_i32 = arith.constant 0 : i32
    %c0_i32_0 = arith.constant 0 : i32
    %c0_i32_1 = arith.constant 0 : i32
    return %c0_i32, %c0_i32_0 : i32, i32
  }
  func.func @transform_4(%arg0: i32) -> i32 {
    %c0_i32 = arith.constant 0 : i32
    %c0_i32_0 = arith.constant 0 : i32
    return %c0_i32 : i32
  }
}

</mosaic_0001>

<sc_bundles>
// kernel: kernel.4.cloned.1.call-start
scs
__scs_entry_jumppad:
0x0: {  	(pc) =	sbr.rel $0x88, $3  }
0x1: {  	(tag) =	ssettag $0x0;
	lr =	simm.s32 $0x1  }
0x2: {  	[smem:$0x3F9E] =	sst lr;
	_ =	strace $0xD0000000  }
0x3: {  	_ = 	snop  }
0x4: {  	_ = 	snop  }
0x5: {  	_ = 	snop  }
0x6: {  	_ = 	snop  }
0x7: {  	_ = 	snop  }
__scs_overlays_trampoline_lowered:
0x8: {  	[smem:$0x3FAD] =	sst s0  }
0x9: {  	[smem:$0x3FAE] =	sst s1  }
0xa: {  	[smem:$0x3FAF] =	sst s2  }
0xb: {  	[smem:$0x3FB0] =	sst s3  }
0xc: {  	[smem:$0x3FB1] =	sst s4  }
0xd: {  	[smem:$0x3FB2] =	sst s5  }
0xe: {  	[smem:$0x3FB3] =	sst s6  }
0xf: {  	[smem:$0x3FB4] =	sst s7  }
0x10: {  	[smem:$0x3FB5] =	sst s8  }
0x11: {  	[smem:$0x3FB6] =	sst s9;
	s0 =	simm.s32 @!p0 $0x0  }
0x12: {  	s1 =	sld [smem:$0x3F9C];
	s0 =	simm.s32 @p0 $0x1  }
0x13: {  	[smem:$0x3FB7] =	sst s0;
	s0 =	simm.s32 @!p1 $0x0  }
0x14: {  	s2 =	sld [smem:$0x3F9B];
	s0 =	simm.s32 @p1 $0x1  }
0x15: {  	[smem:$0x3FB8] =	sst s0;
	s0 =	simm.s32 @!p2 $0x0  }
0x16: {  	s3 =	sld [smem:$0x3FDB];
	s0 =	simm.s32 @p2 $0x1  }
0x17: {  	s4 =	simm.s32 $0x1BF5;
	[smem:$0x3FBA] =	sst s0  }
0x18: {  	s0 =	sld [smem:$0x3F9D];
	_ =	swait.ge [sflag:s4], $0x0  }
0x19: {  	s7 =	sld [smem:$0x3F9E]  }
0x1a: {  	s8 =	sadd.s32 $0xFFFFE003, lr  }
0x1b: {  	s9 =	sadd.s32 $0xFFFFFEF7, lr;
	s5 =	simm.s32 $0xFFFFFFFF;
	p2 =	slt.u32 s8, $0xFFFFF086  }
0x1c: {  	p1 =	slt.u32 s9, $0xF7A;
	s5 =	simm.s32 @!p2 $0x0  }
0x1d: {  	s5 =	simm.s32 @p1 $0x1;
	p0 =	seq.s32 s7, s2  }
0x1e: {  	s7 =	smul.u32 @!p0 $0xF7A, s2;
	p2 =	seq.s32 @!p0 s5, $0x0  }
0x1f: {  	s9 =	smul.u32 $0xF7A, s1;
	s8 =	simm.s32 @!p0 $0x1BF5;
	p2 =	por !p2, p0  }
0x20: {  	[sflag:s8] =	ssyncset.s32 @!p0 $0xFFFFF086;
	s6 =	sadd.s32 @!p0 s3, s7;
	s7 =	simm.s32 @!p0 $0x108  }
0x21: {  	s3 =	sadd.s32 s3, s9;
	s6 =	sadd.s32 @!p0 $0x88, s6;
	s7 =	simm.s32 @p2 $0x1082  }
0x22: {  	[simem:s7], [sflag:s8] =	dma.local @!p0 [hbm:s6], $0xF7A  }
0x23: {  	s9 =	sor.u32 $0xD0000000, s2;
	s6 =	simm.s32 $0x108;
	_ =	swait.ge @!p0 [sflag:s8], $0x0  }
0x24: {  	s3 =	sadd.s32 $0x88, s3;
	s6 =	simm.s32 @!p1 $0x1082;
	[sflag:s4] =	ssyncset.s32 $0xFFFFF086  }
0x25: {  	[simem:s6], [sflag:s4] =	dma.local [hbm:s3], $0xF7A  }
0x26: {  	[smem:$0x3F9E] =	sst s1;
	(tag) =	ssettag s2;
	_ =	strace s9  }
0x27: {  	s1 =	sld [smem:$0x3FAE]  }
0x28: {  	s2 =	sld [smem:$0x3FAF]  }
0x29: {  	s4 =	sld [smem:$0x3FB1]  }
0x2a: {  	p0 =	seq.s32 s5, $0x0;
	s5 =	sld [smem:$0x3FB2]  }
0x2b: {  	s6 =	sld [smem:$0x3FB3]  }
0x2c: {  	s7 =	sld [smem:$0x3FB4]  }
0x2d: {  	s3 =	simm.s32 $0x108;
	s8 =	sld [smem:$0x3FB5]  }
0x2e: {  	s3 =	simm.s32 @!p0 $0x1082;
	s9 =	sld [smem:$0x3FB6]  }
0x2f: {  	lr =	sadd.s32 s0, s3;
	s0 =	sld [smem:$0x3FAD]  }
0x30: {  	s3 =	sld [smem:$0x3FB0]  }
0x31: {  	[smem:$0x3FB9] =	sst s10  }
0x32: {  	s10 =	sld [smem:$0x3FB7];
	_ =	sdelay $0x3  }
0x33: {  	p0 =	seq.s32 s10, $0x1;
	s10 =	sld [smem:$0x3FB9];
	_ =	sdelay $0x3  }
0x34: {  	[smem:$0x3FB9] =	sst s10  }
0x35: {  	s10 =	sld [smem:$0x3FB8];
	_ =	sdelay $0x3  }
0x36: {  	p1 =	seq.s32 s10, $0x1;
	s10 =	sld [smem:$0x3FB9];
	_ =	sdelay $0x3  }
0x37: {  	[smem:$0x3FB9] =	sst s10  }
0x38: {  	s10 =	sld [smem:$0x3FBA]  }
0x39: {  	_ = 	snop;
	(pc) =	sbr.ind lr, $3  }
0x3a: {  	_ = 	snop  }
0x3b: {  	_ = 	snop  }
0x3c: {  	p2 =	seq.s32 s10, $0x1;
	s10 =	sld [smem:$0x3FB9]  }
0x3d: {  	_ =	shalt  }
0x3e: {  	_ =	shalt  }
0x3f: {  	_ =	shalt  }
0x40: {  	_ =	shalt  }
0x41: {  	_ =	shalt  }
0x42: {  	_ =	shalt  }
0x43: {  	_ =	shalt  }
0x44: {  	_ =	shalt  }
0x45: {  	_ =	shalt  }
0x46: {  	_ =	shalt  }
0x47: {  	_ =	shalt  }
0x48: {  	_ =	shalt  }
0x49: {  	_ =	shalt  }
0x4a: {  	_ =	shalt  }
0x4b: {  	_ =	shalt  }
0x4c: {  	_ =	shalt  }
0x4d: {  	_ =	shalt  }
0x4e: {  	_ =	shalt  }
0x4f: {  	_ =	shalt  }
0x50: {  	_ =	shalt  }
0x51: {  	_ =	shalt  }
0x52: {  	_ =	shalt  }
0x53: {  	_ =	shalt  }
0x54: {  	_ =	shalt  }
0x55: {  	_ =	shalt  }
0x56: {  	_ =	shalt  }
0x57: {  	_ =	shalt  }
0x58: {  	_ =	shalt  }
0x59: {  	_ =	shalt  }
0x5a: {  	_ =	shalt  }
0x5b: {  	_ =	shalt  }
0x5c: {  	_ =	shalt  }
0x5d: {  	_ =	shalt  }
0x5e: {  	_ =	shalt  }
0x5f: {  	_ =	shalt  }
0x60: {  	_ =	shalt  }
0x61: {  	_ =	shalt  }
0x62: {  	_ =	shalt  }
0x63: {  	_ =	shalt  }
0x64: {  	_ =	shalt  }
0x65: {  	_ =	shalt  }
0x66: {  	_ =	shalt  }
0x67: {  	_ =	shalt  }
0x68: {  	_ =	shalt  }
0x69: {  	_ =	shalt  }
0x6a: {  	_ =	shalt  }
0x6b: {  	_ =	shalt  }
0x6c: {  	_ =	shalt  }
0x6d: {  	_ =	shalt  }
0x6e: {  	_ =	shalt  }
0x6f: {  	_ =	shalt  }
0x70: {  	_ =	shalt  }
0x71: {  	_ =	shalt  }
0x72: {  	_ =	shalt  }
0x73: {  	_ =	shalt  }
0x74: {  	_ =	shalt  }
0x75: {  	_ =	shalt  }
0x76: {  	_ =	shalt  }
0x77: {  	_ =	shalt  }
0x78: {  	_ =	shalt  }
0x79: {  	_ =	shalt  }
0x7a: {  	_ =	shalt  }
0x7b: {  	_ =	shalt  }
0x7c: {  	_ =	shalt  }
0x7d: {  	_ =	shalt  }
0x7e: {  	_ =	shalt  }
0x7f: {  	_ =	shalt  }
0x80: {  	_ =	shalt  }
0x81: {  	_ =	shalt  }
0x82: {  	_ =	shalt  }
0x83: {  	_ =	shalt  }
0x84: {  	_ =	shalt  }
0x85: {  	_ =	shalt  }
0x86: {  	_ =	shalt  }
0x87: {  	_ =	shalt  }
.Lfunc_end0:
.L_simem_size_0:
called_computation_lowered:
.L_overlay_start_0:
0x88: {  	s2 =	sld [smem:$0x3FD9]  }
0x89: {  	s3 =	sld [smem:$0x3FFE];
	_ =	sdelay $0x1  }
0x8a: {  	s1 =	srdreg.scid  }
0x8b: {  	s0 =	sand.u32 $0x1, s1  }
0x8c: {  	s17 =	sshll.u32 s0, $0xA;
	s2 =	sadd.s32 s3, s2  }
0x8d: {  	s2 =	sadd.s32 s2, s17  }
0x8e: {  	[smem:$0x3FC5] =	sst s2  }
0x8f: {  	_ = 	snop  }
0x90: {  	s2 =	sld [smem:$0x3FC9]  }
0x91: {  	s18 =	sld [smem:$0x3FC8]  }
0x92: {  	s4 =	sld [smem:$0x3FC7]  }
0x93: {  	s5 =	sld [smem:$0x3FD0];
	(tm) =	ssettm $0x1  }
0x94: {  	s6 =	sld [smem:$0x3FFB];
	_ =	sdelay $0x3  }
0x95: {  	_ =	strace s6  }
0x96: {  	s6 =	sld [smem:$0x3FFC];
	_ =	sdelay $0x3  }
0x97: {  	_ =	strace s6  }
0x98: {  	s6 =	sld [smem:$0x3FFD];
	_ =	sdelay $0x3  }
0x99: {  	_ =	strace s6  }
0x9a: {  	_ =	strace $0x8FFFFFFF  }
0x9b: {  	s19 =	sld [smem:$0x3FDB];
	_ =	sdelay $0x1  }
0x9c: {  	s7 =	simm.s32 $_scs_section_size  }
0x9d: {  	s8 =	simm.s32 $_size__tile_overlayer_lowered;
	s9 =	simm.s32 $_tile_overlayer_lowered  }
0x9e: {  	s22 =	simm.s32 $0x1BFF;
	s21 =	sshll.u32 s9, $0x1;
	s6 =	sadd.s32 s7, s19  }
0x9f: {  	s10 =	simm.s32 $0x0;
	s20 =	sshll.u32 s8, $0x1;
	s8 =	sadd.s32 s21, s6  }
0xa0: {  	[timem:s10], [sflag:s22] =	dma.local [hbm:s8], s20  }
0xa1: {  	_ =	swait.ge [sflag:s22], s20  }
0xa2: {  	s7 =	ssub.s32 $0x0, s20;
	[sflag:s22] =	ssyncset.done $0x0  }
0xa3: {  	[sflag:s22] =	ssyncadd.s32 s7;
	_ =	sdelay $0x1  }
0xa4: {  	s23 =	simm.s32 $0x1B8B  }
0xa5: {  	_ =	swait.ge [sflag:s23], $0x1  }
0xa6: {  	[sflag:s23] =	ssyncset.done $0x0  }
0xa7: {  	s25 =	simm.s32 $0x1B8E;
	s24 =	sld [smem:$0x3FFE];
	[sflag:s23] =	ssyncadd.s32 $0xFFFFFFFF  }
0xa8: {  	s26 =	simm.s32 $execute0_lowered;
	[smem:$0x3FD2] =	sst s25  }
0xa9: {  	s8 =	sshll.u32 s26, $0x1;
	_ =	strace $0x80000046;
	[dreg:$0x1] =	wrdreg $0xFFFFFFFF  }
0xaa: {  	s28 =	simm.s32 $_size_execute0_lowered;
	s6 =	sadd.s32 s6, s8;
	[dreg:$0x0] =	wrdreg $0x0  }
0xab: {  	s8 =	sshll.u32 s28, $0x1;
	[dreg:$0x2] =	wrdreg s6  }
0xac: {  	[dreg:$0x3] =	wrdreg s8  }
0xad: {  	[dreg:$0x4] =	wrdreg $0xC0  }
0xae: {  	_ =	task [dreg:s10], $0x5FFFF  }
0xaf: {  	[dreg:$0x1] =	wrdreg $0xFFFFFFFF  }
0xb0: {  	[dreg:$0x0] =	wrdreg $0x60  }
0xb1: {  	[dreg:$0x2] =	wrdreg s2  }
0xb2: {  	[dreg:$0x3] =	wrdreg s18  }
0xb3: {  	[dreg:$0x4] =	wrdreg s4  }
0xb4: {  	[dreg:$0x5] =	wrdreg s24  }
0xb5: {  	[dreg:$0x6] =	wrdreg s5  }
0xb6: {  	[dreg:$0x7] =	wrdreg $0x9  }
0xb7: {  	_ =	task.clear_ibuf [dreg:s10], $0x8FFFF;
	_ =	strace $0x90000046  }
0xb8: {  	s29 =	simm.s32 $0x9;
	_ =	strace $0x80000048  }
0xb9: {  	_ =	swait.ge [sflag:s29], $0x1  }
0xba: {  	[sflag:s29] =	ssyncadd.s32 $0xFFFFFFFF  }
0xbb: {  	_ =	strace $0x90000048  }
0xbc: {  	_ =	sfence  }
0xbd: {  	s30 =	sld [smem:$0x0];
	_ =	sdelay $0x2  }
0xbe: {  	s31 =	sshll.u32 s1, $0xD;
	s1 =	sshrl.u32 s1, $0x2  }
0xbf: {  	s3 =	sand.u32 $0x4000, s31;
	s1 =	sadd.s32 s1, s30  }
0xc0: {  	s0 =	sor.u32 s3, s0;
	s1 =	sshll.u32 s1, $0x11  }
0xc1: {  	s0 =	sor.u32 s1, s0  }
0xc2: {  	s0 =	sadd.s32 $0x8F2B, s0  }
0xc3: {  	[sflag:s0] =	ssyncadd.remote.s32 $0x1  }
0xc4: {  	_ =	sfence.sel $0xFFFF  }
0xc5: {  	[dreg:$0x0] =	wrdreg $0xFFFFFFFF;
	(pc) =	sbr.abs _section_cstart, $3  }
0xc6: {  	[dreg:$0x1] =	wrdreg $0xFFFFFFFF  }
0xc7: {  	_ =	task.clear_ibuf [dreg:s10], $0x2FFFF;
	_ =	strace $0x9FFFFFFF  }
0xc8: {  	(tm) =	ssettm $0x7FFFFFFF  }
0xc9: {  	_ =	shalt  }
tec
execute0_lowered:
.L_overlay_start_1:
0x0: {  	(tag) =	ssettag $0x1  }
0x1: {  	s8 =	rddreg [dreg:$0x0]  }
0x2: {  	s9 =	rddreg [dreg:$0x1]  }
0x3: {  	s1 =	rddreg [dreg:$0x2]  }
0x4: {  	s7 =	rddreg [dreg:$0x3]  }
0x5: {  	s2 =	rddreg [dreg:$0x4];
	s4 =	simm.s32 $0x0  }
0x6: {  	s5 =	srdreg.scid;
	s0 =	stileid.u32;
	s15 =	simm.s32 $0x5100  }
0x7: {  	s17 =	simm.s32 $0x1000;
	s18 =	simm.s32 $0x1080;
	s19 =	simm.s32 $0x1  }
0x8: {  	s20 =	simm.s32 $0x2;
	s12 =	sand.u32 $0x1, s5;
	s6 =	sshll.u32 s0, $0x1  }
0x9: {  	s21 =	simm.s32 $0x3;
	[smem:$0x7FF] =	sst s4;
	s16 =	sor.u32 s12, s6  }
0xa: {  	s30 =	sshll.u32 s0, $0xA;
	s14 =	sshll.u32 s12, $0x9;
	s13 =	sshll.u32 s16, $0xB  }
0xb: {  	s8 =	sadd.s32 s8, s13;
	s9 =	sadd.s32 s9, s13;
	s13 =	sor.u32 s14, s30  }
0xc: {  	s5 =	sadd.s32 $0x1000, s7;
	s31 =	sshll.u32 s0, $0x8;
	s22 =	sshrl.u32 s13, $0x2  }
0xd: {  	_ =	strace $0x80000047;
	s10 =	ssub.s32 $0x2, s12;
	s6 =	sadd.s32 $0x11000, s7;
	v1 =	vmov s22  }
0xe: {  	s7 =	sadd.s32 $0x21000, s7;
	s12 =	sshll.u32 s12, $0x7;
	s11 =	sshrl.u32 s10, $0x1  }
0xf: {  	s12 =	sor.u32 s12, s31;
	p0 =	sne.s32 s16, $0x0;
	s11 =	ssub.s32 s10, s11  }
0x10: {  	s10 =	sshll.u32 s16, $0x3;
	s14 =	simm.s32 $0x1100;
	s16 =	simm.s32 $0x80  }
0x11: {  	v0 =	vlaneseq.u32;
	vm0 =	vcmask @!p0 $0x300;
	vm1 =	vcmask @!p0 $0x704;
	s11 =	smax.u32 s11, $0x1;
	s13 =	simm.s32 $0x5;
	s22 =	simm.s32 $0x0  }
.LBB2_1:
0x12: {  	[tilespmem:s4], [sflag:$0x5] =	stream.linear.gather [hbm4b:s1+s4], $0x1000, $0x38;
	[tilespmem:$0x9180] =	vst v63  }
0x13: {  	_ =	swait.ge [sflag:s13], $0x1000  }
0x14: {  	[sflag:s13] =	ssyncset.done $0x0  }
0x15: {  	[sflag:s13] =	ssyncadd.s32 $0xFFFFF000  }
0x16: {  	[tilespmem:s14], [sflag:$0x5] =	stream.linear.gather [hbm4b:s8+s4], $0x4000, $0x38;
	[tilespmem:$0x9180] =	vst v63  }
0x17: {  	_ =	swait.ge [sflag:s13], $0x4000  }
0x18: {  	[sflag:s13] =	ssyncset.done $0x0  }
0x19: {  	[sflag:s13] =	ssyncadd.s32 $0xFFFFC000  }
0x1a: {  	[tilespmem:s15], [sflag:$0x5] =	stream.linear.gather [hbm4b:s9+s4], $0x4000, $0x38;
	[tilespmem:$0x9180] =	vst v63  }
0x1b: {  	_ =	swait.ge [sflag:s13], $0x4000  }
0x1c: {  	[sflag:s13] =	ssyncset.done $0x0  }
0x1d: {  	[sflag:s13] =	ssyncadd.s32 $0xFFFFC000  }
0x1e: {  	v2 =	vld [tilespmem:s4+$0x0]  }
0x1f: {  	s23 =	simm.s32 $0x10  }
0x20: {  	v3 =	vld [tilespmem:s23+$0x0];
	_ =	sdelay $0x2  }
0x21: {  	(xrf0) =	vadd.scan.msk.s32 $0xffff, v2;
	_ =	sdelay $0x1  }
0x22: {  	(xrf0) =	vadd.scan.msk.s32 $0xffff, v3;
	_ =	sdelay $0x2  }
0x23: {  	s25 =	simm.s32 $0x20  }
0x24: {  	v4 =	vld [tilespmem:s25+$0x0];
	v3, _, _ =	vpop (xrf0)  }
0x25: {  	(v2sf) =	vpush v3, $0xF  }
0x26: {  	v3, _, _ =	vpop (xrf0)  }
0x27: {  	(v2sf) =	vpush v3, $0xF;
	_ =	sdelay $0x1  }
0x28: {  	s26 =	simm.s32 $0x30;
	(xrf0) =	vadd.scan.msk.s32 $0xffff, v4  }
0x29: {  	v2 =	vld [tilespmem:s26+$0x0];
	_ =	sdelay $0x2  }
0x2a: {  	s24 =	simm.s32 $0x2;
	s30 =	simm.s32 $0x4  }
0x2b: {  	s31 =	simm.s32 $0x40;
	s29 =	simm.s32 $0x0;
	s28 =	simm.s32 $0x0  }
0x2c: {  	s25 =	simm.s32 $0x1;
	s23 =	simm.s32 $0x3;
	s26 =	simm.s32 $0x0;
	(xrf0) =	vadd.scan.msk.s32 $0xffff, v2;
	v2, _, _ =	vpop (xrf0)  }
.LBB2_2:
0x2d: {  	p1 =	sne.s32 s30, $0xFF  }
0x2e: {  	v3 =	vld [tilespmem:s31+$0x0];
	(v2sf) =	vpush v2, $0xF;
	s0 =	smov.u32 s23;
	s23 =	smov.u32 s30;
	s30 =	sadd.s32 $0x1, s30  }
.Ltmp0:
0x2f: {  	(pc) =	sbr.rel @p1 .LBB2_2-.Ltmp0, $4  }
0x30: {  	_ = 	snop  }
0x31: {  	p2 =	slt.u32 s29, s10;
	s29 =	smov.u32 s25;
	s3 =	spop (v2sf)  }
0x32: {  	s25 =	smov.u32 s24;
	s28 =	sadd.s32 s28, s3;
	s3 =	simm.s32 @!p2 $0x0  }
0x33: {  	s31 =	sadd.s32 $0x10, s31;
	s24 =	smov.u32 s0;
	(xrf0) =	vadd.scan.msk.s32 $0xffff, v3;
	v2, _, _ =	vpop (xrf0);
	s26 =	sadd.s32 s26, s3  }
0x34: {  	_ =	sdelay $0x3  }
0x35: {  	(v2sf) =	vpush v2, $0xF  }
0x36: {  	v2, _, _ =	vpop (xrf0)  }
0x37: {  	(v2sf) =	vpush v2, $0xF;
	_ =	sdelay $0x5  }
0x38: {  	s0 =	simm.s32 $0x0  }
0x39: {  	v4 =	vld.idx.msk [tilespmem:v1+s0+$0x0 ss:$0x1], $0xffff;
	_ =	sdelay $0x2  }
0x3a: {  	s3 =	spop (v2sf);
	p1 =	slt.u32 s29, s10  }
0x3b: {  	s28 =	sadd.s32 s28, s3;
	s3 =	simm.s32 @!p1 $0x0  }
0x3c: {  	p2 =	slt.u32 s25, s10;
	s3 =	sadd.s32 s26, s3;
	(xrf0) =	vadd.scan.msk.s32 $0xffff, v4;
	s29 =	spop (v2sf)  }
0x3d: {  	s30 =	sadd.s32 s28, s29;
	s29 =	simm.s32 @!p2 $0x0;
	s26 =	spop (v2sf)  }
0x3e: {  	p1 =	slt.u32 s24, s10;
	s3 =	sadd.s32 s3, s29;
	s31 =	sadd.s32 s30, s26  }
0x3f: {  	s26 =	simm.s32 @!p1 $0x0;
	p1 =	slt.u32 s23, s10;
	s25 =	spop (v2sf)  }
0x40: {  	s3 =	sadd.s32 s3, s26;
	s23 =	sadd.s32 s31, s25;
	s25 =	simm.s32 @!p1 $0x0  }
0x41: {  	s25 =	sadd.s32 s3, s25  }
0x42: {  	v7 =	vor.u32 s12, v0;
	vm2 =	veq.s32 v4, $0x0;
	v6, _, _ =	vpop (xrf0);
	s24 =	ssub.s32 $0x1000, s23;
	v5 =	vsub.s32 s25, v4  }
0x43: {  	(v2sf) =	vpush v6, $0xF;
	v3 =	vmov s24;
	v5 =	vadd.s32 v6, v5  }
0x44: {  	v2 =	vmov s23;
	v7 =	vsub.s32 v7, v5;
	v8 =	vadd.s32 v3, v5  }
0x45: {  	vm3 =	veq.s32 v4, $0x1;
	v4 =	vsel vm2, v7, v8;
	v7 =	vadd.s32 v2, v7  }
0x46: {  	v5 =	vsel vm3, v5, v7;
	[tilespmem:s0+$0x1080] =	vst v4  }
0x47: {  	s28 =	smov.u32 s12;
	s29 =	simm.s32 $0x80;
	s26 =	simm.s32 $0x10;
	[tilespmem:s0+$0x1000] =	vst v5  }
.LBB2_4:
0x48: {  	p1 =	sne.s32 s29, $0x1C0;
	v4 =	vld.idx.msk [tilespmem:v1+s26+$0x0 ss:$0x1], $0xffff;
	_ =	sdelay $0x5  }
0x49: {  	vm2 =	veq.s32 v4, $0x1;
	vm3 =	veq.s32 v4, $0x0;
	(xrf0) =	vadd.scan.msk.s32 $0xffff, v4;
	_ =	sdelay $0x3  }
0x4a: {  	s0 =	spop (v2sf)  }
0x4b: {  	s25 =	sadd.s32 s25, s0  }
0x4c: {  	s28 =	sadd.s32 $0x10, s28;
	v4 =	vsub.s32 s25, v4;
	v5, _, _ =	vpop (xrf0)  }
.Ltmp1:
0x4d: {  	v6 =	vor.u32 s28, v0;
	v4 =	vadd.s32 v5, v4;
	(v2sf) =	vpush v5, $0xF;
	(pc) =	sbr.rel @p1 .LBB2_4-.Ltmp1, $4  }
0x4e: {  	v5 =	vsub.s32 v6, v4;
	v6 =	vadd.s32 v3, v4  }
0x4f: {  	v7 =	vadd.s32 v2, v5;
	v5 =	vsel vm3, v5, v6  }
0x50: {  	v4 =	vsel vm2, v4, v7;
	[tilespmem:s26+$0x1080] =	vst v5  }
0x51: {  	[tilespmem:s26+$0x1000] =	vst v4;
	s26 =	sshra.s32 s29, $0x2;
	s29 =	sadd.s32 $0x40, s29  }
0x52: {  	_ =	sdelay $0x3  }
0x53: {  	v4 =	vld.idx.msk [tilespmem:v1+s26+$0x0 ss:$0x1], $0xffff;
	_ =	sdelay $0x4  }
0x54: {  	(xrf0) =	vadd.scan.msk.s32 $0xffff, v4;
	_ =	sdelay $0x5  }
0x55: {  	v5, _, _ =	vpop (xrf0)  }
0x56: {  	s0 =	spop (v2sf);
	(v2sf) =	vpush v5, $0xF  }
0x57: {  	s0 =	sadd.s32 s25, s0  }
0x58: {  	s30 =	sadd.s32 $0x10, s28;
	v6 =	vsub.s32 s0, v4  }
0x59: {  	v63 =	vor.u32 s30, v0;
	v5 =	vadd.s32 v5, v6  }
0x5a: {  	vm2 =	veq.s32 v4, $0x0;
	v6 =	vsub.s32 v63, v5;
	v3 =	vadd.s32 v3, v5  }
0x5b: {  	vm3 =	veq.s32 v4, $0x1;
	v2 =	vadd.s32 v2, v6;
	v3 =	vsel vm2, v6, v3  }
0x5c: {  	v2 =	vsel vm3, v5, v2;
	[tilespmem:s26+$0x1080] =	vst v3  }
0x5d: {  	[tilespmem:s26+$0x1000] =	vst v2  }
0x5e: {  	[hbm4b:s5+s16] =	stream.indirect.scatter [tilespmem:s14], [sflag:$0x1], $0x80, s17, s16, $0xb8;
	[tilespmem:$0x9180] =	vst v63  }
0x5f: {  	_ = 	snop  }
0x60: {  	v2 =	vmov @!p0 s23;
	[hbm4b:s6+s16] =	stream.indirect.scatter [tilespmem:s15], [sflag:$0x2], $0x80, s17, s16, $0xb8;
	[tilespmem:$0x9180] =	vst v63  }
0x61: {  	v2 =	vnsel @!p0 vm0, $0x0, v2  }
0x62: {  	v2 =	vsel @!p0 vm1, s24, v2;
	[hbm4b:s7+s16] =	stream.indirect.scatter [tilespmem:s15], [sflag:$0x3], $0x80, s18, s16, $0xb8;
	[tilespmem:$0x9180] =	vst v63  }
0x63: {  	s3 =	simm.s32 @!p0 $0x9100;
	s0 =	simm.s32 @!p0 $0x0;
	[tilespmem:$0x9100] =	vst @!p0 v2  }
0x64: {  	[hbm4b:s2+s0] =	stream.linear.scatter @!p0 [tilespmem:s3], [sflag:$0x4], $0x80, $0x38;
	[tilespmem:$0x9180] =	vst v63  }
0x65: {  	s0 =	simm.s32 @!p0 $0x4;
	s31 =	spop (v2sf)  }
0x66: {  	_ =	swait.ge @!p0 [sflag:s0], $0x80  }
0x67: {  	[sflag:s0] =	ssyncset.done @!p0 $0x0  }
0x68: {  	[sflag:s0] =	ssyncadd.s32 @!p0 $0xFFFFFF80  }
0x69: {  	_ =	swait.ge [sflag:s19], $0x4000  }
0x6a: {  	[sflag:s19] =	ssyncset.done $0x0  }
0x6b: {  	s22 =	sadd.s32 $0x1, s22;
	[sflag:s19] =	ssyncadd.s32 $0xFFFFC000  }
0x6c: {  	p1 =	sne.s32 s22, s11;
	_ =	swait.ge [sflag:s20], $0x4000  }
.Ltmp2:
0x6d: {  	[sflag:s20] =	ssyncset.done $0x0;
	(pc) =	sbr.rel @p1 .LBB2_1-.Ltmp2, $4  }
0x6e: {  	[sflag:s20] =	ssyncadd.s32 $0xFFFFC000  }
0x6f: {  	_ =	swait.ge [sflag:s21], $0x4000  }
0x70: {  	[sflag:s21] =	ssyncset.done $0x0  }
0x71: {  	[sflag:s21] =	ssyncadd.s32 $0xFFFFC000  }
0x72: {  	_ =	sfence.sel $0x180000  }
0x73: {  	[bflag:$0x0] =	sbarrier.arrive $0xFFFF  }
0x74: {  	_ =	strace $0x90000047  }
0x75: {  	s0 =	stileid.u32;
	[bflag:$0x2] =	sbarrier.arrive $0xFFFF  }
0x76: {  	p0 =	sne.s32 s0, $0x0;
	s0 =	rddreg [dreg:$0x5]  }
0x77: {  	s0 =	sadd.s32 @!p0 $0x100000, s0  }
0x78: {  	[sflag:s0] =	ssyncadd.tile.s32 @!p0 $0x1;
	_ =	shalt  }
.Lfunc_end2:
_tile_overlayer_lowered:
.L_overlay_start_2:
0x79: {  	(tag) =	ssettag $0x2  }
0x7a: {  	s0 =	rddreg [dreg:$0x0];
	s2 =	stileid.u32  }
0x7b: {  	s1 =	rddreg [dreg:$0x1];
	p0 =	sne.s32 s2, $0x0  }
0x7c: {  	s3 =	rddreg [dreg:$0x2];
	[bflag:$0x3] =	sbarrier.arrive $0xFFFF;
	s2 =	simm.s32 @!p0 $0x1C05  }
0x7d: {  	[timem:s3], [sflag:s2] =	dma.local @!p0 [hbm:s0], s1  }
0x7e: {  	s0 =	simm.s32 @!p0 $0x5  }
0x7f: {  	_ =	swait.ge @!p0 [sflag:s0], s1  }
0x80: {  	s1 =	ssub.s32 @!p0 $0x0, s1;
	[sflag:s0] =	ssyncset.done @!p0 $0x0  }
0x81: {  	[sflag:s0] =	ssyncadd.s32 @!p0 s1  }
0x82: {  	[bflag:$0x3] =	sbarrier.arrive $0xFFFF  }
0x83: {  	_ =	shalt  }

</sc_bundles>
